<compile_context>
chip_gen: v7x
topology: tpu7x:2x2x1
jax: 0.10.2.dev20260603
libtpu: 0.0.44.dev20260713+nightly
codegen_flags: <defaults>
</compile_context>

<pallas_src>
import functools

import jax
import jax.numpy as jnp
from jax import lax
from jax.experimental import pallas as pl
from jax.experimental.pallas import tpu as pltpu
from jax.experimental.pallas import tpu_sc as plsc

B = 4
C = 384
HW = 128 * 128
NCLS = 21
NBINS = 32
NC = 2
NS = 16
NW = NC * NS
K = 4
L = 16

ROWS_PER_TILE = 64
PIX = ROWS_PER_TILE * 128
N_TILES = 128 // ROWS_PER_TILE

D_OFF = 0
S2_OFF = K * NBINS
CNT_OFF = 2 * K * NBINS
ACC_SIZE = 3 * K * NBINS

CHUNK_ROWS = 128 // (NW // B)


def _tc_main_body(prot_ref, feat_ref, lab_ref, d_ref, s_ref):
    x = feat_ref[0].reshape(C, PIX)
    p = prot_ref[...]
    dall = jnp.dot(p, x, preferred_element_type=jnp.float32)
    lab = lab_ref[0].reshape(1, PIX)
    cls = lax.broadcasted_iota(jnp.int32, (NBINS, PIX), 0)
    dsel = jnp.sum(jnp.where(cls == lab, dall, jnp.float32(0.0)), axis=0)
    ssq = jnp.sum(x * x, axis=0)
    d_ref[0] = dsel.reshape(ROWS_PER_TILE, 128)
    s_ref[0] = ssq.reshape(ROWS_PER_TILE, 128)


_tc_main = pl.pallas_call(
    _tc_main_body,
    grid=(B, N_TILES),
    in_specs=[
        pl.BlockSpec((NBINS, C), lambda b, j: (0, 0)),
        pl.BlockSpec((1, C, ROWS_PER_TILE, 128), lambda b, j: (b, 0, j, 0)),
        pl.BlockSpec((1, ROWS_PER_TILE, 128), lambda b, j: (b, j, 0)),
    ],
    out_specs=[
        pl.BlockSpec((1, ROWS_PER_TILE, 128), lambda b, j: (b, j, 0)),
        pl.BlockSpec((1, ROWS_PER_TILE, 128), lambda b, j: (b, j, 0)),
    ],
    out_shape=[
        jax.ShapeDtypeStruct((B, 128, 128), jnp.float32),
        jax.ShapeDtypeStruct((B, 128, 128), jnp.float32),
    ],
)


def _seg_body(d_hbm, s_hbm, lab_hbm, out_hbm,
              dv, sv, labv, acc_v, outst_v, sem0, sem1, sem2):
    wid = lax.axis_index("s") * NC + lax.axis_index("c")
    b = jnp.bitwise_and(wid, B - 1)
    ro = lax.shift_right_logical(wid, 2) * CHUNK_ROWS

    zeros = jnp.zeros((L,), jnp.float32)
    ones = jnp.full((L,), 1.0, jnp.float32)

    cd = pltpu.async_copy(d_hbm.at[b, pl.ds(ro, CHUNK_ROWS)], dv, sem0)
    cs = pltpu.async_copy(s_hbm.at[b, pl.ds(ro, CHUNK_ROWS)], sv, sem1)
    cl_ = pltpu.async_copy(lab_hbm.at[b, pl.ds(ro, CHUNK_ROWS)], labv, sem2)

    def zbody(i):
        acc_v[pl.ds(i * L, L)] = zeros
    plsc.parallel_loop(0, ACC_SIZE // L, 1, unroll=4)(zbody)

    cd.wait()
    cs.wait()
    cl_.wait()

    def pstep(j):
        r = lax.shift_right_logical(j, 3)
        cc = jnp.bitwise_and(j, 7) * L
        dd = dv[r, pl.ds(cc, L)]
        ss = sv[r, pl.ds(cc, L)]
        lab = labv[r, pl.ds(cc, L)]
        k = jnp.bitwise_and(j, K - 1)
        plsc.addupdate_scatter(acc_v, [lab + (D_OFF + k * NBINS)], dd)
        plsc.addupdate_scatter(acc_v, [lab + (S2_OFF + k * NBINS)], ss)
        plsc.addupdate_scatter(acc_v, [lab + (CNT_OFF + k * NBINS)], ones)
    plsc.parallel_loop(0, (CHUNK_ROWS * 128) // L, 1, unroll=4)(pstep)

    for q in range(3):
        for h in range(NBINS // L):
            tot = zeros
            for k in range(K):
                tot = tot + acc_v[pl.ds(q * K * NBINS + k * NBINS + h * L, L)]
            outst_v[pl.ds(q * NBINS + h * L, L)] = tot
    for h in range(NBINS // L):
        outst_v[pl.ds(3 * NBINS + h * L, L)] = zeros

    pltpu.sync_copy(outst_v, out_hbm.at[wid])


_seg_call = functools.partial(
    pl.kernel,
    out_type=jax.ShapeDtypeStruct((NW, 4 * NBINS), jnp.float32),
    mesh=plsc.VectorSubcoreMesh(core_axis_name="c", subcore_axis_name="s"),
    compiler_params=pltpu.CompilerParams(needs_layout_passes=False),
    scratch_types=[
        pltpu.VMEM((CHUNK_ROWS, 128), jnp.float32),
        pltpu.VMEM((CHUNK_ROWS, 128), jnp.float32),
        pltpu.VMEM((CHUNK_ROWS, 128), jnp.int32),
        pltpu.VMEM((ACC_SIZE,), jnp.float32),
        pltpu.VMEM((4 * NBINS,), jnp.float32),
        pltpu.SemaphoreType.DMA,
        pltpu.SemaphoreType.DMA,
        pltpu.SemaphoreType.DMA,
    ],
)(_seg_body)


def _fin_body(p_ref, prot_ref, o_ref):
    x = p_ref[...]
    s = jnp.sum(x, axis=0)
    d = s[0]
    s2 = s[1]
    cnt = s[2]
    pp = prot_ref[...]
    p2 = jnp.sum(pp * pp, axis=1)
    present = cnt > 0.0
    denom = jnp.where(present, cnt * jnp.float32(C), jnp.float32(1.0))
    term = (s2 - 2.0 * d + cnt * p2) / denom
    loss = (jnp.sum(jnp.where(present, term, jnp.float32(0.0)))
            / jnp.sum(present.astype(jnp.float32)))
    o_ref[...] = jnp.reshape(loss, (1, 1))


_fin_call = pl.pallas_call(
    _fin_body,
    out_shape=jax.ShapeDtypeStruct((1, 1), jnp.float32),
)


def kernel(features, labels, prototypes):
    protot = jnp.pad(prototypes, ((0, NBINS - NCLS), (0, 0)))
    d, s = _tc_main(protot, features, labels)
    partials = _seg_call(d, s, labels)
    loss = _fin_call(partials.reshape(NW, 4, NBINS), protot)
    return loss[0, 0]

# --- scband reference (transcript-rebuilt; emitter-appended) ---
"""Pipeline reference for scband-feature-clustering-loss-77403900608556 (READ-ONLY COPY).

The authoritative reference and input builder live on the scoring server;
editing this copy changes nothing except your own understanding.
"""

import jax, jax.numpy as jnp
import numpy as np

FACTOR = 1.0
NO_BKG = False

def setup_inputs(seed: int = 0) -> dict:
    key = jax.random.key(seed)
    k1, k2, k3 = jax.random.split(key, 3)
    features = jax.random.normal(k1, (4, 384, 128, 128), dtype=jnp.float32)
    labels = jax.random.randint(k2, (4, 128, 128), 0, 21, dtype=jnp.int32)
    prototypes = jax.random.normal(k3, (21, 384), dtype=jnp.float32)
    return {"features": features, "labels": labels, "prototypes": prototypes}

def reference(features, labels, prototypes):
    b, c, h, w = features.shape
    # labels are already at (h, w); NEAREST resize to same size is identity
    n_cls = prototypes.shape[0]
    start = 1 if NO_BKG else 0
    feats = jnp.transpose(features, (0, 2, 3, 1)).reshape(-1, c)
    lab = labels.reshape(-1)
    loss = jnp.float32(0.0)
    n_present = jnp.float32(0.0)
    for cl in range(start, n_cls):
        mask = (lab == cl).astype(feats.dtype)
        cnt = jnp.sum(mask)
        present = cnt > 0
        diff = feats - prototypes[cl][None, :]
        sq = jnp.sum(diff * diff, axis=1)
        # MSELoss (mean over count*c elements) restricted to masked rows
        term = jnp.sum(sq * mask) / jnp.where(present, cnt * c, jnp.float32(1.0))
        loss = loss + jnp.where(present, term, jnp.float32(0.0))
        n_present = n_present + present.astype(jnp.float32)
    loss = loss / n_present
    return FACTOR * loss

if __name__ == "__main__":
    import jax
    _d = setup_inputs()
    print(jax.jit(kernel)(*tuple(_d.values())))

</pallas_src>

<mosaic_0001>
#map = affine_map<(d0, d1) -> (0, 0, 0)>
#map1 = affine_map<(d0, d1) -> (0, 0)>
module attributes {stable_mosaic.version = 14 : i64} {
  func.func @_seg_body(%arg0: i32, %arg1: i32, %arg2: memref<4x128x128xf32, #tpu.memory_space<hbm>>, %arg3: memref<4x128x128xf32, #tpu.memory_space<hbm>>, %arg4: memref<4x128x128xi32, #tpu.memory_space<hbm>>, %arg5: memref<32x128xf32, #tpu.memory_space<hbm>>, %arg6: memref<16x128xf32, #tpu.memory_space<vmem>>, %arg7: memref<16x128xf32, #tpu.memory_space<vmem>>, %arg8: memref<16x128xi32, #tpu.memory_space<vmem>>, %arg9: memref<384xf32, #tpu.memory_space<vmem>>, %arg10: memref<128xf32, #tpu.memory_space<vmem>>, %arg11: memref<!tpu.dma_semaphore, #tpu.memory_space<semaphore_mem>>, %arg12: memref<!tpu.dma_semaphore, #tpu.memory_space<semaphore_mem>>, %arg13: memref<!tpu.dma_semaphore, #tpu.memory_space<semaphore_mem>>) attributes {dimension_semantics = [#tpu.dimension_semantics<core_parallel>, #tpu.dimension_semantics<subcore_parallel>], iteration_bounds = array<i64: 2, 16>, scalar_prefetch = 0 : i64, scratch_operands = 8 : i64, tpu.core_type = #tpu.core_type<sc_vector_subcore>, window_params = [{transform_indices = #map}, {transform_indices = #map}, {transform_indices = #map}, {transform_indices = #map1}]} {
    %mul3A = arith.constant 2 : i32
    %mul3A_0 = arith.muli %arg1, %mul3A : i32
    %add3A = arith.addi %mul3A_0, %arg0 : i32
    %and3A = arith.constant 3 : i32
    %and3A_1 = arith.andi %add3A, %and3A : i32
    %shift_right_logical3A = arith.constant 2 : i32
    %shift_right_logical3A_2 = arith.shrui %add3A, %shift_right_logical3A : i32
    %mul3A_3 = arith.constant 16 : i32
    %mul3A_4 = arith.muli %shift_right_logical3A_2, %mul3A_3 : i32
    %broadcast_in_dim3A = arith.constant 0.000000e+00 : f32
    %broadcast_in_dim3A_5 = vector.broadcast %broadcast_in_dim3A : f32 to vector<16xf32>
    %broadcast_in_dim3A_6 = arith.constant 1.000000e+00 : f32
    %broadcast_in_dim3A_7 = vector.broadcast %broadcast_in_dim3A_6 : f32 to vector<16xf32>
    %dma_start3A = arith.constant 0 : i32
    %dma_start3A_8 = tpu.memref_slice %arg2[%and3A_1, %mul3A_4, %dma_start3A] : memref<4x128x128xf32, #tpu.memory_space<hbm>> -> memref<1x16x128xf32, #tpu.memory_space<hbm>>
    %dma_start3A_9 = tpu.memref_squeeze %dma_start3A_8 : memref<1x16x128xf32, #tpu.memory_space<hbm>> -> memref<16x128xf32, #tpu.memory_space<hbm>>
    %dma_start3A_10 = arith.constant 0 : i32
    %dma_start3A_11 = tpu.memref_slice %arg2[%and3A_1, %mul3A_4, %dma_start3A_10] : memref<4x128x128xf32, #tpu.memory_space<hbm>> -> memref<1x16x128xf32, #tpu.memory_space<hbm>>
    %dma_start3A_12 = tpu.memref_squeeze %dma_start3A_11 : memref<1x16x128xf32, #tpu.memory_space<hbm>> -> memref<16x128xf32, #tpu.memory_space<hbm>>
    tpu.enqueue_dma source(%dma_start3A_12 : memref<16x128xf32, #tpu.memory_space<hbm>>) target(%arg6 : memref<16x128xf32, #tpu.memory_space<vmem>>) target_semaphore(%arg11 : memref<!tpu.dma_semaphore, #tpu.memory_space<semaphore_mem>>)
    %dma_start3A_13 = arith.constant 0 : i32
    %dma_start3A_14 = tpu.memref_slice %arg3[%and3A_1, %mul3A_4, %dma_start3A_13] : memref<4x128x128xf32, #tpu.memory_space<hbm>> -> memref<1x16x128xf32, #tpu.memory_space<hbm>>
    %dma_start3A_15 = tpu.memref_squeeze %dma_start3A_14 : memref<1x16x128xf32, #tpu.memory_space<hbm>> -> memref<16x128xf32, #tpu.memory_space<hbm>>
    %dma_start3A_16 = arith.constant 0 : i32
    %dma_start3A_17 = tpu.memref_slice %arg3[%and3A_1, %mul3A_4, %dma_start3A_16] : memref<4x128x128xf32, #tpu.memory_space<hbm>> -> memref<1x16x128xf32, #tpu.memory_space<hbm>>
    %dma_start3A_18 = tpu.memref_squeeze %dma_start3A_17 : memref<1x16x128xf32, #tpu.memory_space<hbm>> -> memref<16x128xf32, #tpu.memory_space<hbm>>
    tpu.enqueue_dma source(%dma_start3A_18 : memref<16x128xf32, #tpu.memory_space<hbm>>) target(%arg7 : memref<16x128xf32, #tpu.memory_space<vmem>>) target_semaphore(%arg12 : memref<!tpu.dma_semaphore, #tpu.memory_space<semaphore_mem>>)
    %dma_start3A_19 = arith.constant 0 : i32
    %dma_start3A_20 = tpu.memref_slice %arg4[%and3A_1, %mul3A_4, %dma_start3A_19] : memref<4x128x128xi32, #tpu.memory_space<hbm>> -> memref<1x16x128xi32, #tpu.memory_space<hbm>>
    %dma_start3A_21 = tpu.memref_squeeze %dma_start3A_20 : memref<1x16x128xi32, #tpu.memory_space<hbm>> -> memref<16x128xi32, #tpu.memory_space<hbm>>
    %dma_start3A_22 = arith.constant 0 : i32
    %dma_start3A_23 = tpu.memref_slice %arg4[%and3A_1, %mul3A_4, %dma_start3A_22] : memref<4x128x128xi32, #tpu.memory_space<hbm>> -> memref<1x16x128xi32, #tpu.memory_space<hbm>>
    %dma_start3A_24 = tpu.memref_squeeze %dma_start3A_23 : memref<1x16x128xi32, #tpu.memory_space<hbm>> -> memref<16x128xi32, #tpu.memory_space<hbm>>
    tpu.enqueue_dma source(%dma_start3A_24 : memref<16x128xi32, #tpu.memory_space<hbm>>) target(%arg8 : memref<16x128xi32, #tpu.memory_space<vmem>>) target_semaphore(%arg13 : memref<!tpu.dma_semaphore, #tpu.memory_space<semaphore_mem>>)
    %parallel_loop3A = arith.constant 0 : i32
    %parallel_loop3A_25 = arith.constant 24 : i32
    %parallel_loop3A_26 = arith.constant 1 : i32
    scf.for %parallel_loop3A_133 = %parallel_loop3A to %parallel_loop3A_25 step %parallel_loop3A_26  : i32 {
      %parallel_loop3A_134 = arith.constant 16 : i32
      %parallel_loop3A_135 = arith.muli %parallel_loop3A_133, %parallel_loop3A_134 : i32
      %parallel_loop3A_136 = arith.index_cast %parallel_loop3A_135 : i32 to index
      %parallel_loop3A_137 = tpu.vector_load %arg9[%parallel_loop3A_136] {strides = array<i32>} : memref<384xf32, #tpu.memory_space<vmem>>, vector<16xf32>,
      tpu.vector_store %arg9[%parallel_loop3A_136], %broadcast_in_dim3A_5 {strides = array<i32>} : memref<384xf32, #tpu.memory_space<vmem>>, vector<16xf32>,
    } {sc.loop_unroll_factor = 4 : i64, sc.parallel_access}
    %dma_wait3A = arith.constant 0 : i32
    %dma_wait3A_27 = tpu.memref_slice %arg2[%and3A_1, %mul3A_4, %dma_wait3A] : memref<4x128x128xf32, #tpu.memory_space<hbm>> -> memref<1x16x128xf32, #tpu.memory_space<hbm>>
    %dma_wait3A_28 = tpu.memref_squeeze %dma_wait3A_27 : memref<1x16x128xf32, #tpu.memory_space<hbm>> -> memref<16x128xf32, #tpu.memory_space<hbm>>
    %dma_wait3A_29 = arith.constant 0 : i32
    %dma_wait3A_30 = tpu.memref_slice %arg2[%and3A_1, %mul3A_4, %dma_wait3A_29] : memref<4x128x128xf32, #tpu.memory_space<hbm>> -> memref<1x16x128xf32, #tpu.memory_space<hbm>>
    %dma_wait3A_31 = tpu.memref_squeeze %dma_wait3A_30 : memref<1x16x128xf32, #tpu.memory_space<hbm>> -> memref<16x128xf32, #tpu.memory_space<hbm>>
    tpu.wait_dma2 semaphore(%arg11 : memref<!tpu.dma_semaphore, #tpu.memory_space<semaphore_mem>>) src(%dma_wait3A_31 : memref<16x128xf32, #tpu.memory_space<hbm>>) dst(%arg6 : memref<16x128xf32, #tpu.memory_space<vmem>>)
    %dma_wait3A_32 = arith.constant 0 : i32
    %dma_wait3A_33 = tpu.memref_slice %arg3[%and3A_1, %mul3A_4, %dma_wait3A_32] : memref<4x128x128xf32, #tpu.memory_space<hbm>> -> memref<1x16x128xf32, #tpu.memory_space<hbm>>
    %dma_wait3A_34 = tpu.memref_squeeze %dma_wait3A_33 : memref<1x16x128xf32, #tpu.memory_space<hbm>> -> memref<16x128xf32, #tpu.memory_space<hbm>>
    %dma_wait3A_35 = arith.constant 0 : i32
    %dma_wait3A_36 = tpu.memref_slice %arg3[%and3A_1, %mul3A_4, %dma_wait3A_35] : memref<4x128x128xf32, #tpu.memory_space<hbm>> -> memref<1x16x128xf32, #tpu.memory_space<hbm>>
    %dma_wait3A_37 = tpu.memref_squeeze %dma_wait3A_36 : memref<1x16x128xf32, #tpu.memory_space<hbm>> -> memref<16x128xf32, #tpu.memory_space<hbm>>
    tpu.wait_dma2 semaphore(%arg12 : memref<!tpu.dma_semaphore, #tpu.memory_space<semaphore_mem>>) src(%dma_wait3A_37 : memref<16x128xf32, #tpu.memory_space<hbm>>) dst(%arg7 : memref<16x128xf32, #tpu.memory_space<vmem>>)
    %dma_wait3A_38 = arith.constant 0 : i32
    %dma_wait3A_39 = tpu.memref_slice %arg4[%and3A_1, %mul3A_4, %dma_wait3A_38] : memref<4x128x128xi32, #tpu.memory_space<hbm>> -> memref<1x16x128xi32, #tpu.memory_space<hbm>>
    %dma_wait3A_40 = tpu.memref_squeeze %dma_wait3A_39 : memref<1x16x128xi32, #tpu.memory_space<hbm>> -> memref<16x128xi32, #tpu.memory_space<hbm>>
    %dma_wait3A_41 = arith.constant 0 : i32
    %dma_wait3A_42 = tpu.memref_slice %arg4[%and3A_1, %mul3A_4, %dma_wait3A_41] : memref<4x128x128xi32, #tpu.memory_space<hbm>> -> memref<1x16x128xi32, #tpu.memory_space<hbm>>
    %dma_wait3A_43 = tpu.memref_squeeze %dma_wait3A_42 : memref<1x16x128xi32, #tpu.memory_space<hbm>> -> memref<16x128xi32, #tpu.memory_space<hbm>>
    tpu.wait_dma2 semaphore(%arg13 : memref<!tpu.dma_semaphore, #tpu.memory_space<semaphore_mem>>) src(%dma_wait3A_43 : memref<16x128xi32, #tpu.memory_space<hbm>>) dst(%arg8 : memref<16x128xi32, #tpu.memory_space<vmem>>)
    %parallel_loop3A_44 = arith.constant 0 : i32
    %parallel_loop3A_45 = arith.constant 128 : i32
    %parallel_loop3A_46 = arith.constant 1 : i32
    scf.for %parallel_loop3A_133 = %parallel_loop3A_44 to %parallel_loop3A_45 step %parallel_loop3A_46  : i32 {
      %parallel_loop3A_134 = arith.constant 3 : i32
      %parallel_loop3A_135 = arith.shrui %parallel_loop3A_133, %parallel_loop3A_134 : i32
      %parallel_loop3A_136 = arith.constant 7 : i32
      %parallel_loop3A_137 = arith.andi %parallel_loop3A_133, %parallel_loop3A_136 : i32
      %parallel_loop3A_138 = arith.constant 16 : i32
      %parallel_loop3A_139 = arith.muli %parallel_loop3A_137, %parallel_loop3A_138 : i32
      %parallel_loop3A_140 = arith.index_cast %parallel_loop3A_135 : i32 to index
      %parallel_loop3A_141 = arith.index_cast %parallel_loop3A_139 : i32 to index
      %parallel_loop3A_142 = tpu.vector_load %arg6[%parallel_loop3A_140, %parallel_loop3A_141] {strides = array<i32>} : memref<16x128xf32, #tpu.memory_space<vmem>>, vector<16xf32>,
      %parallel_loop3A_143 = arith.index_cast %parallel_loop3A_135 : i32 to index
      %parallel_loop3A_144 = arith.index_cast %parallel_loop3A_139 : i32 to index
      %parallel_loop3A_145 = tpu.vector_load %arg7[%parallel_loop3A_143, %parallel_loop3A_144] {strides = array<i32>} : memref<16x128xf32, #tpu.memory_space<vmem>>, vector<16xf32>,
      %parallel_loop3A_146 = arith.index_cast %parallel_loop3A_135 : i32 to index
      %parallel_loop3A_147 = arith.index_cast %parallel_loop3A_139 : i32 to index
      %parallel_loop3A_148 = tpu.vector_load %arg8[%parallel_loop3A_146, %parallel_loop3A_147] {strides = array<i32>} : memref<16x128xi32, #tpu.memory_space<vmem>>, vector<16xi32>,
      %parallel_loop3A_149 = arith.constant 3 : i32
      %parallel_loop3A_150 = arith.andi %parallel_loop3A_133, %parallel_loop3A_149 : i32
      %parallel_loop3A_151 = arith.constant 32 : i32
      %parallel_loop3A_152 = arith.muli %parallel_loop3A_150, %parallel_loop3A_151 : i32
      %parallel_loop3A_153 = arith.constant 0 : i32
      %parallel_loop3A_154 = arith.addi %parallel_loop3A_153, %parallel_loop3A_152 : i32
      %parallel_loop3A_155 = vector.broadcast %parallel_loop3A_154 : i32 to vector<16xi32>
      %parallel_loop3A_156 = arith.addi %parallel_loop3A_148, %parallel_loop3A_155 : vector<16xi32>
      tpu.vector_store_idx %arg9[%parallel_loop3A_156], %parallel_loop3A_142 {add = true} : memref<384xf32, #tpu.memory_space<vmem>>[vector<16xi32>], vector<16xf32>,
      %parallel_loop3A_157 = arith.constant 32 : i32
      %parallel_loop3A_158 = arith.muli %parallel_loop3A_150, %parallel_loop3A_157 : i32
      %parallel_loop3A_159 = arith.constant 128 : i32
      %parallel_loop3A_160 = arith.addi %parallel_loop3A_159, %parallel_loop3A_158 : i32
      %parallel_loop3A_161 = vector.broadcast %parallel_loop3A_160 : i32 to vector<16xi32>
      %parallel_loop3A_162 = arith.addi %parallel_loop3A_148, %parallel_loop3A_161 : vector<16xi32>
      tpu.vector_store_idx %arg9[%parallel_loop3A_162], %parallel_loop3A_145 {add = true} : memref<384xf32, #tpu.memory_space<vmem>>[vector<16xi32>], vector<16xf32>,
      %parallel_loop3A_163 = arith.constant 32 : i32
      %parallel_loop3A_164 = arith.muli %parallel_loop3A_150, %parallel_loop3A_163 : i32
      %parallel_loop3A_165 = arith.constant 256 : i32
      %parallel_loop3A_166 = arith.addi %parallel_loop3A_165, %parallel_loop3A_164 : i32
      %parallel_loop3A_167 = vector.broadcast %parallel_loop3A_166 : i32 to vector<16xi32>
      %parallel_loop3A_168 = arith.addi %parallel_loop3A_148, %parallel_loop3A_167 : vector<16xi32>
      tpu.vector_store_idx %arg9[%parallel_loop3A_168], %broadcast_in_dim3A_7 {add = true} : memref<384xf32, #tpu.memory_space<vmem>>[vector<16xi32>], vector<16xf32>,
    } {sc.loop_unroll_factor = 4 : i64, sc.parallel_access}
    %get3A = arith.constant 0 : index
    %get3A_47 = tpu.vector_load %arg9[%get3A] {strides = array<i32>} : memref<384xf32, #tpu.memory_space<vmem>>, vector<16xf32>,
    %add3A_48 = arith.addf %broadcast_in_dim3A_5, %get3A_47 : vector<16xf32>
    %get3A_49 = arith.constant 32 : index
    %get3A_50 = tpu.vector_load %arg9[%get3A_49] {strides = array<i32>} : memref<384xf32, #tpu.memory_space<vmem>>, vector<16xf32>,
    %add3A_51 = arith.addf %add3A_48, %get3A_50 : vector<16xf32>
    %get3A_52 = arith.constant 64 : index
    %get3A_53 = tpu.vector_load %arg9[%get3A_52] {strides = array<i32>} : memref<384xf32, #tpu.memory_space<vmem>>, vector<16xf32>,
    %add3A_54 = arith.addf %add3A_51, %get3A_53 : vector<16xf32>
    %get3A_55 = arith.constant 96 : index
    %get3A_56 = tpu.vector_load %arg9[%get3A_55] {strides = array<i32>} : memref<384xf32, #tpu.memory_space<vmem>>, vector<16xf32>,
    %add3A_57 = arith.addf %add3A_54, %get3A_56 : vector<16xf32>
    %swap3A = arith.constant 0 : index
    %swap3A_58 = tpu.vector_load %arg10[%swap3A] {strides = array<i32>} : memref<128xf32, #tpu.memory_space<vmem>>, vector<16xf32>,
    tpu.vector_store %arg10[%swap3A], %add3A_57 {strides = array<i32>} : memref<128xf32, #tpu.memory_space<vmem>>, vector<16xf32>,
    %get3A_59 = arith.constant 16 : index
    %get3A_60 = tpu.vector_load %arg9[%get3A_59] {strides = array<i32>} : memref<384xf32, #tpu.memory_space<vmem>>, vector<16xf32>,
    %add3A_61 = arith.addf %broadcast_in_dim3A_5, %get3A_60 : vector<16xf32>
    %get3A_62 = arith.constant 48 : index
    %get3A_63 = tpu.vector_load %arg9[%get3A_62] {strides = array<i32>} : memref<384xf32, #tpu.memory_space<vmem>>, vector<16xf32>,
    %add3A_64 = arith.addf %add3A_61, %get3A_63 : vector<16xf32>
    %get3A_65 = arith.constant 80 : index
    %get3A_66 = tpu.vector_load %arg9[%get3A_65] {strides = array<i32>} : memref<384xf32, #tpu.memory_space<vmem>>, vector<16xf32>,
    %add3A_67 = arith.addf %add3A_64, %get3A_66 : vector<16xf32>
    %get3A_68 = arith.constant 112 : index
    %get3A_69 = tpu.vector_load %arg9[%get3A_68] {strides = array<i32>} : memref<384xf32, #tpu.memory_space<vmem>>, vector<16xf32>,
    %add3A_70 = arith.addf %add3A_67, %get3A_69 : vector<16xf32>
    %swap3A_71 = arith.constant 16 : index
    %swap3A_72 = tpu.vector_load %arg10[%swap3A_71] {strides = array<i32>} : memref<128xf32, #tpu.memory_space<vmem>>, vector<16xf32>,
    tpu.vector_store %arg10[%swap3A_71], %add3A_70 {strides = array<i32>} : memref<128xf32, #tpu.memory_space<vmem>>, vector<16xf32>,
    %get3A_73 = arith.constant 128 : index
    %get3A_74 = tpu.vector_load %arg9[%get3A_73] {strides = array<i32>} : memref<384xf32, #tpu.memory_space<vmem>>, vector<16xf32>,
    %add3A_75 = arith.addf %broadcast_in_dim3A_5, %get3A_74 : vector<16xf32>
    %get3A_76 = arith.constant 160 : index
    %get3A_77 = tpu.vector_load %arg9[%get3A_76] {strides = array<i32>} : memref<384xf32, #tpu.memory_space<vmem>>, vector<16xf32>,
    %add3A_78 = arith.addf %add3A_75, %get3A_77 : vector<16xf32>
    %get3A_79 = arith.constant 192 : index
    %get3A_80 = tpu.vector_load %arg9[%get3A_79] {strides = array<i32>} : memref<384xf32, #tpu.memory_space<vmem>>, vector<16xf32>,
    %add3A_81 = arith.addf %add3A_78, %get3A_80 : vector<16xf32>
    %get3A_82 = arith.constant 224 : index
    %get3A_83 = tpu.vector_load %arg9[%get3A_82] {strides = array<i32>} : memref<384xf32, #tpu.memory_space<vmem>>, vector<16xf32>,
    %add3A_84 = arith.addf %add3A_81, %get3A_83 : vector<16xf32>
    %swap3A_85 = arith.constant 32 : index
    %swap3A_86 = tpu.vector_load %arg10[%swap3A_85] {strides = array<i32>} : memref<128xf32, #tpu.memory_space<vmem>>, vector<16xf32>,
    tpu.vector_store %arg10[%swap3A_85], %add3A_84 {strides = array<i32>} : memref<128xf32, #tpu.memory_space<vmem>>, vector<16xf32>,
    %get3A_87 = arith.constant 144 : index
    %get3A_88 = tpu.vector_load %arg9[%get3A_87] {strides = array<i32>} : memref<384xf32, #tpu.memory_space<vmem>>, vector<16xf32>,
    %add3A_89 = arith.addf %broadcast_in_dim3A_5, %get3A_88 : vector<16xf32>
    %get3A_90 = arith.constant 176 : index
    %get3A_91 = tpu.vector_load %arg9[%get3A_90] {strides = array<i32>} : memref<384xf32, #tpu.memory_space<vmem>>, vector<16xf32>,
    %add3A_92 = arith.addf %add3A_89, %get3A_91 : vector<16xf32>
    %get3A_93 = arith.constant 208 : index
    %get3A_94 = tpu.vector_load %arg9[%get3A_93] {strides = array<i32>} : memref<384xf32, #tpu.memory_space<vmem>>, vector<16xf32>,
    %add3A_95 = arith.addf %add3A_92, %get3A_94 : vector<16xf32>
    %get3A_96 = arith.constant 240 : index
    %get3A_97 = tpu.vector_load %arg9[%get3A_96] {strides = array<i32>} : memref<384xf32, #tpu.memory_space<vmem>>, vector<16xf32>,
    %add3A_98 = arith.addf %add3A_95, %get3A_97 : vector<16xf32>
    %swap3A_99 = arith.constant 48 : index
    %swap3A_100 = tpu.vector_load %arg10[%swap3A_99] {strides = array<i32>} : memref<128xf32, #tpu.memory_space<vmem>>, vector<16xf32>,
    tpu.vector_store %arg10[%swap3A_99], %add3A_98 {strides = array<i32>} : memref<128xf32, #tpu.memory_space<vmem>>, vector<16xf32>,
    %get3A_101 = arith.constant 256 : index
    %get3A_102 = tpu.vector_load %arg9[%get3A_101] {strides = array<i32>} : memref<384xf32, #tpu.memory_space<vmem>>, vector<16xf32>,
    %add3A_103 = arith.addf %broadcast_in_dim3A_5, %get3A_102 : vector<16xf32>
    %get3A_104 = arith.constant 288 : index
    %get3A_105 = tpu.vector_load %arg9[%get3A_104] {strides = array<i32>} : memref<384xf32, #tpu.memory_space<vmem>>, vector<16xf32>,
    %add3A_106 = arith.addf %add3A_103, %get3A_105 : vector<16xf32>
    %get3A_107 = arith.constant 320 : index
    %get3A_108 = tpu.vector_load %arg9[%get3A_107] {strides = array<i32>} : memref<384xf32, #tpu.memory_space<vmem>>, vector<16xf32>,
    %add3A_109 = arith.addf %add3A_106, %get3A_108 : vector<16xf32>
    %get3A_110 = arith.constant 352 : index
    %get3A_111 = tpu.vector_load %arg9[%get3A_110] {strides = array<i32>} : memref<384xf32, #tpu.memory_space<vmem>>, vector<16xf32>,
    %add3A_112 = arith.addf %add3A_109, %get3A_111 : vector<16xf32>
    %swap3A_113 = arith.constant 64 : index
    %swap3A_114 = tpu.vector_load %arg10[%swap3A_113] {strides = array<i32>} : memref<128xf32, #tpu.memory_space<vmem>>, vector<16xf32>,
    tpu.vector_store %arg10[%swap3A_113], %add3A_112 {strides = array<i32>} : memref<128xf32, #tpu.memory_space<vmem>>, vector<16xf32>,
    %get3A_115 = arith.constant 272 : index
    %get3A_116 = tpu.vector_load %arg9[%get3A_115] {strides = array<i32>} : memref<384xf32, #tpu.memory_space<vmem>>, vector<16xf32>,
    %add3A_117 = arith.addf %broadcast_in_dim3A_5, %get3A_116 : vector<16xf32>
    %get3A_118 = arith.constant 304 : index
    %get3A_119 = tpu.vector_load %arg9[%get3A_118] {strides = array<i32>} : memref<384xf32, #tpu.memory_space<vmem>>, vector<16xf32>,
    %add3A_120 = arith.addf %add3A_117, %get3A_119 : vector<16xf32>
    %get3A_121 = arith.constant 336 : index
    %get3A_122 = tpu.vector_load %arg9[%get3A_121] {strides = array<i32>} : memref<384xf32, #tpu.memory_space<vmem>>, vector<16xf32>,
    %add3A_123 = arith.addf %add3A_120, %get3A_122 : vector<16xf32>
    %get3A_124 = arith.constant 368 : index
    %get3A_125 = tpu.vector_load %arg9[%get3A_124] {strides = array<i32>} : memref<384xf32, #tpu.memory_space<vmem>>, vector<16xf32>,
    %add3A_126 = arith.addf %add3A_123, %get3A_125 : vector<16xf32>
    %swap3A_127 = arith.constant 80 : index
    %swap3A_128 = tpu.vector_load %arg10[%swap3A_127] {strides = array<i32>} : memref<128xf32, #tpu.memory_space<vmem>>, vector<16xf32>,
    tpu.vector_store %arg10[%swap3A_127], %add3A_126 {strides = array<i32>} : memref<128xf32, #tpu.memory_space<vmem>>, vector<16xf32>,
    %swap3A_129 = arith.constant 96 : index
    %swap3A_130 = tpu.vector_load %arg10[%swap3A_129] {strides = array<i32>} : memref<128xf32, #tpu.memory_space<vmem>>, vector<16xf32>,
    tpu.vector_store %arg10[%swap3A_129], %broadcast_in_dim3A_5 {strides = array<i32>} : memref<128xf32, #tpu.memory_space<vmem>>, vector<16xf32>,
    %swap3A_131 = arith.constant 112 : index
    %swap3A_132 = tpu.vector_load %arg10[%swap3A_131] {strides = array<i32>} : memref<128xf32, #tpu.memory_space<vmem>>, vector<16xf32>,
    tpu.vector_store %arg10[%swap3A_131], %broadcast_in_dim3A_5 {strides = array<i32>} : memref<128xf32, #tpu.memory_space<vmem>>, vector<16xf32>,
    "tpu.region"() ({
      %run_scoped3A = tpu.sem_alloc : memref<!tpu.dma_semaphore, #tpu.memory_space<semaphore_mem>>
      %dma_start3A_133 = arith.constant 0 : i32
      %dma_start3A_134 = tpu.memref_slice %arg5[%add3A, %dma_start3A_133] : memref<32x128xf32, #tpu.memory_space<hbm>> -> memref<1x128xf32, #tpu.memory_space<hbm>>
      %dma_start3A_135 = tpu.memref_squeeze %dma_start3A_134 : memref<1x128xf32, #tpu.memory_space<hbm>> -> memref<128xf32, #tpu.memory_space<hbm>>
      %dma_start3A_136 = arith.constant 0 : i32
      %dma_start3A_137 = tpu.memref_slice %arg5[%add3A, %dma_start3A_136] : memref<32x128xf32, #tpu.memory_space<hbm>> -> memref<1x128xf32, #tpu.memory_space<hbm>>
      %dma_start3A_138 = tpu.memref_squeeze %dma_start3A_137 : memref<1x128xf32, #tpu.memory_space<hbm>> -> memref<128xf32, #tpu.memory_space<hbm>>
      tpu.enqueue_dma source(%arg10 : memref<128xf32, #tpu.memory_space<vmem>>) target(%dma_start3A_138 : memref<128xf32, #tpu.memory_space<hbm>>) target_semaphore(%run_scoped3A : memref<!tpu.dma_semaphore, #tpu.memory_space<semaphore_mem>>)
      %dma_wait3A_139 = arith.constant 0 : i32
      %dma_wait3A_140 = tpu.memref_slice %arg5[%add3A, %dma_wait3A_139] : memref<32x128xf32, #tpu.memory_space<hbm>> -> memref<1x128xf32, #tpu.memory_space<hbm>>
      %dma_wait3A_141 = tpu.memref_squeeze %dma_wait3A_140 : memref<1x128xf32, #tpu.memory_space<hbm>> -> memref<128xf32, #tpu.memory_space<hbm>>
      %dma_wait3A_142 = arith.constant 0 : i32
      %dma_wait3A_143 = tpu.memref_slice %arg5[%add3A, %dma_wait3A_142] : memref<32x128xf32, #tpu.memory_space<hbm>> -> memref<1x128xf32, #tpu.memory_space<hbm>>
      %dma_wait3A_144 = tpu.memref_squeeze %dma_wait3A_143 : memref<1x128xf32, #tpu.memory_space<hbm>> -> memref<128xf32, #tpu.memory_space<hbm>>
      tpu.wait_dma2 semaphore(%run_scoped3A : memref<!tpu.dma_semaphore, #tpu.memory_space<semaphore_mem>>) src(%arg10 : memref<128xf32, #tpu.memory_space<vmem>>) dst(%dma_wait3A_144 : memref<128xf32, #tpu.memory_space<hbm>>)
      tpu.yield
    }) : () -> ()
    return
  }
}

module attributes {stable_mosaic.version = 14 : i64} {
  func.func @_fin_body(%arg0: memref<32x4x32xf32, #tpu.memory_space<vmem>>, %arg1: memref<32x384xf32, #tpu.memory_space<vmem>>, %arg2: memref<1x1xf32, #tpu.memory_space<vmem>>) attributes {dimension_semantics = [], scalar_prefetch = 0 : i64, scratch_operands = 0 : i64, tpu.core_type = #tpu.core_type<tc>} {
    %get3A = arith.constant 0 : index
    %get3A_0 = arith.constant 0 : index
    %get3A_1 = arith.constant 0 : index
    %get3A_2 = vector.load %arg0[%get3A, %get3A_0, %get3A_1] : memref<32x4x32xf32, #tpu.memory_space<vmem>>, vector<32x4x32xf32>
    %reduce_sum3A = arith.constant dense<0.000000e+00> : vector<4x32xf32>
    %reduce_sum3A_3 = vector.multi_reduction <add>, %get3A_2, %reduce_sum3A [0] : vector<32x4x32xf32> to vector<4x32xf32>
    %slice3A = vector.extract_strided_slice %reduce_sum3A_3 {offsets = [0, 0], sizes = [1, 32], strides = [1, 1]} : vector<4x32xf32> to vector<1x32xf32>
    %squeeze3A = vector.shape_cast %slice3A : vector<1x32xf32> to vector<32xf32>
    %slice3A_4 = vector.extract_strided_slice %reduce_sum3A_3 {offsets = [1, 0], sizes = [1, 32], strides = [1, 1]} : vector<4x32xf32> to vector<1x32xf32>
    %squeeze3A_5 = vector.shape_cast %slice3A_4 : vector<1x32xf32> to vector<32xf32>
    %slice3A_6 = vector.extract_strided_slice %reduce_sum3A_3 {offsets = [2, 0], sizes = [1, 32], strides = [1, 1]} : vector<4x32xf32> to vector<1x32xf32>
    %squeeze3A_7 = vector.shape_cast %slice3A_6 : vector<1x32xf32> to vector<32xf32>
    %get3A_8 = arith.constant 0 : index
    %get3A_9 = arith.constant 0 : index
    %get3A_10 = vector.load %arg1[%get3A_8, %get3A_9] : memref<32x384xf32, #tpu.memory_space<vmem>>, vector<32x384xf32>
    %mul3A = arith.mulf %get3A_10, %get3A_10 : vector<32x384xf32>
    %reduce_sum3A_11 = arith.constant dense<0.000000e+00> : vector<32xf32>
    %reduce_sum3A_12 = vector.multi_reduction <add>, %mul3A, %reduce_sum3A_11 [1] : vector<32x384xf32> to vector<32xf32>
    %gt3A = arith.constant 0.000000e+00 : f32
    %gt3A_13 = vector.broadcast %gt3A : f32 to vector<32xf32>
    %gt3A_14 = arith.cmpf ogt, %squeeze3A_7, %gt3A_13 : vector<32xf32>
    %mul3A_15 = arith.constant 3.840000e+02 : f32
    %mul3A_16 = vector.broadcast %mul3A_15 : f32 to vector<32xf32>
    %mul3A_17 = arith.mulf %squeeze3A_7, %mul3A_16 : vector<32xf32>
    %jit3A = arith.constant 1.000000e+00 : f32
    %broadcast_in_dim3A = vector.broadcast %jit3A : f32 to vector<32xf32>
    %select_n3A = arith.select %gt3A_14, %mul3A_17, %broadcast_in_dim3A : vector<32xi1>, vector<32xf32>
    %mul3A_18 = arith.constant 2.000000e+00 : f32
    %mul3A_19 = vector.broadcast %mul3A_18 : f32 to vector<32xf32>
    %mul3A_20 = arith.mulf %mul3A_19, %squeeze3A : vector<32xf32>
    %sub3A = arith.subf %squeeze3A_5, %mul3A_20 : vector<32xf32>
    %mul3A_21 = arith.mulf %squeeze3A_7, %reduce_sum3A_12 : vector<32xf32>
    %add3A = arith.addf %sub3A, %mul3A_21 : vector<32xf32>
    %div3A = arith.divf %add3A, %select_n3A : vector<32xf32>
    %jit3A_22 = arith.constant 0.000000e+00 : f32
    %broadcast_in_dim3A_23 = vector.broadcast %jit3A_22 : f32 to vector<32xf32>
    %select_n3A_24 = arith.select %gt3A_14, %div3A, %broadcast_in_dim3A_23 : vector<32xi1>, vector<32xf32>
    %reduce_sum3A_25 = vector.shape_cast %select_n3A_24 : vector<32xf32> to vector<1x32xf32>
    %reduce_sum3A_26 = arith.constant dense<0.000000e+00> : vector<1xf32>
    %reduce_sum3A_27 = vector.multi_reduction <add>, %reduce_sum3A_25, %reduce_sum3A_26 [1] : vector<1x32xf32> to vector<1xf32>
    %reduce_sum3A_28 = vector.shape_cast %reduce_sum3A_27 : vector<1xf32> to vector<1x1xf32>
    %reduce_sum3A_29 = vector.extract %reduce_sum3A_28[0, 0] : f32 from vector<1x1xf32>
    %convert_element_type3A = arith.extui %gt3A_14 : vector<32xi1> to vector<32xi32>
    %convert_element_type3A_30 = arith.sitofp %convert_element_type3A : vector<32xi32> to vector<32xf32>
    %reduce_sum3A_31 = vector.shape_cast %convert_element_type3A_30 : vector<32xf32> to vector<1x32xf32>
    %reduce_sum3A_32 = arith.constant dense<0.000000e+00> : vector<1xf32>
    %reduce_sum3A_33 = vector.multi_reduction <add>, %reduce_sum3A_31, %reduce_sum3A_32 [1] : vector<1x32xf32> to vector<1xf32>
    %reduce_sum3A_34 = vector.shape_cast %reduce_sum3A_33 : vector<1xf32> to vector<1x1xf32>
    %reduce_sum3A_35 = vector.extract %reduce_sum3A_34[0, 0] : f32 from vector<1x1xf32>
    %div3A_36 = arith.divf %reduce_sum3A_29, %reduce_sum3A_35 : f32
    %reshape3A = vector.broadcast %div3A_36 : f32 to vector<1x1xf32>
    %swap3A = arith.constant 0 : index
    %swap3A_37 = arith.constant 0 : index
    %swap3A_38 = vector.load %arg2[%swap3A, %swap3A_37] : memref<1x1xf32, #tpu.memory_space<vmem>>, vector<1x1xf32>
    tpu.vector_store %arg2[%swap3A, %swap3A_37], %reshape3A {strides = array<i32>} : memref<1x1xf32, #tpu.memory_space<vmem>>, vector<1x1xf32>,
    return
  }
}

module attributes {stable_mosaic.version = 14 : i64} {
  func.func @_tc_main_body(%arg0: i32, %arg1: i32, %arg2: memref<32x384xf32, #tpu.memory_space<vmem>>, %arg3: memref<1x384x64x128xf32, #tpu.memory_space<vmem>>, %arg4: memref<1x64x128xi32, #tpu.memory_space<vmem>>, %arg5: memref<1x64x128xf32, #tpu.memory_space<vmem>>, %arg6: memref<1x64x128xf32, #tpu.memory_space<vmem>>) attributes {dimension_semantics = [#tpu.dimension_semantics<arbitrary>, #tpu.dimension_semantics<arbitrary>], iteration_bounds = array<i64: 4, 2>, scalar_prefetch = 0 : i64, scratch_operands = 0 : i64, tpu.core_type = #tpu.core_type<tc>, window_params = [{pipeline_mode = #tpu.pipeline_mode<synchronous>, transform_indices = @transform_0, window_bounds = array<i64: 32, 384>}, {transform_indices = @transform_1, window_bounds = array<i64: 1, 384, 64, 128>}, {transform_indices = @transform_2, window_bounds = array<i64: 1, 64, 128>}, {transform_indices = @transform_3, window_bounds = array<i64: 1, 64, 128>}, {transform_indices = @transform_4, window_bounds = array<i64: 1, 64, 128>}]} {
    %get3A = arith.constant 0 : index
    %get3A_0 = arith.constant 0 : index
    %get3A_1 = arith.constant 0 : index
    %get3A_2 = arith.constant 0 : index
    %get3A_3 = vector.load %arg3[%get3A, %get3A_0, %get3A_1, %get3A_2] : memref<1x384x64x128xf32, #tpu.memory_space<vmem>>, vector<1x384x64x128xf32>
    %get3A_4 = vector.shape_cast %get3A_3 : vector<1x384x64x128xf32> to vector<384x64x128xf32>
    %reshape3A = vector.shape_cast %get3A_4 : vector<384x64x128xf32> to vector<384x8192xf32>
    %get3A_5 = arith.constant 0 : index
    %get3A_6 = arith.constant 0 : index
    %get3A_7 = vector.load %arg2[%get3A_5, %get3A_6] : memref<32x384xf32, #tpu.memory_space<vmem>>, vector<32x384xf32>
    %dot_general3A = arith.constant dense<0.000000e+00> : vector<32x8192xf32>
    %dot_general3A_8 = tpu.matmul %get3A_7, %reshape3A, %dot_general3A {dimension_numbers = #tpu.dot_dimension_numbers<[1], [0], [0], [1], [0, 0, 1, 1], [], []>, transpose_lhs_hint = false} : vector<32x384xf32>, vector<384x8192xf32>, vector<32x8192xf32> -> vector<32x8192xf32>
    %get3A_9 = arith.constant 0 : index
    %get3A_10 = arith.constant 0 : index
    %get3A_11 = arith.constant 0 : index
    %get3A_12 = vector.load %arg4[%get3A_9, %get3A_10, %get3A_11] : memref<1x64x128xi32, #tpu.memory_space<vmem>>, vector<1x64x128xi32>
    %get3A_13 = vector.shape_cast %get3A_12 : vector<1x64x128xi32> to vector<64x128xi32>
    %reshape3A_14 = vector.shape_cast %get3A_13 : vector<64x128xi32> to vector<1x8192xi32>
    %iota3A = tpu.iota {dimensions = array<i32: 0>} : vector<32x8192xi32>
    %eq3A = vector.broadcast %reshape3A_14 : vector<1x8192xi32> to vector<32x8192xi32>
    %eq3A_15 = arith.cmpi eq, %iota3A, %eq3A : vector<32x8192xi32>
    %jit3A = arith.constant 0.000000e+00 : f32
    %broadcast_in_dim3A = vector.broadcast %jit3A : f32 to vector<32x8192xf32>
    %select_n3A = arith.select %eq3A_15, %dot_general3A_8, %broadcast_in_dim3A : vector<32x8192xi1>, vector<32x8192xf32>
    %reduce_sum3A = arith.constant dense<0.000000e+00> : vector<8192xf32>
    %reduce_sum3A_16 = vector.multi_reduction <add>, %select_n3A, %reduce_sum3A [0] : vector<32x8192xf32> to vector<8192xf32>
    %mul3A = arith.mulf %reshape3A, %reshape3A : vector<384x8192xf32>
    %reduce_sum3A_17 = arith.constant dense<0.000000e+00> : vector<8192xf32>
    %reduce_sum3A_18 = vector.multi_reduction <add>, %mul3A, %reduce_sum3A_17 [0] : vector<384x8192xf32> to vector<8192xf32>
    %reshape3A_19 = vector.shape_cast %reduce_sum3A_16 : vector<8192xf32> to vector<64x128xf32>
    %swap3A = arith.constant 0 : index
    %swap3A_20 = arith.constant 0 : index
    %swap3A_21 = arith.constant 0 : index
    %swap3A_22 = vector.load %arg5[%swap3A, %swap3A_20, %swap3A_21] : memref<1x64x128xf32, #tpu.memory_space<vmem>>, vector<1x64x128xf32>
    %swap3A_23 = vector.shape_cast %swap3A_22 : vector<1x64x128xf32> to vector<64x128xf32>
    %swap3A_24 = vector.shape_cast %reshape3A_19 : vector<64x128xf32> to vector<1x64x128xf32>
    tpu.vector_store %arg5[%swap3A, %swap3A_20, %swap3A_21], %swap3A_24 {strides = array<i32>} : memref<1x64x128xf32, #tpu.memory_space<vmem>>, vector<1x64x128xf32>,
    %reshape3A_25 = vector.shape_cast %reduce_sum3A_18 : vector<8192xf32> to vector<64x128xf32>
    %swap3A_26 = arith.constant 0 : index
    %swap3A_27 = arith.constant 0 : index
    %swap3A_28 = arith.constant 0 : index
    %swap3A_29 = vector.load %arg6[%swap3A_26, %swap3A_27, %swap3A_28] : memref<1x64x128xf32, #tpu.memory_space<vmem>>, vector<1x64x128xf32>
    %swap3A_30 = vector.shape_cast %swap3A_29 : vector<1x64x128xf32> to vector<64x128xf32>
    %swap3A_31 = vector.shape_cast %reshape3A_25 : vector<64x128xf32> to vector<1x64x128xf32>
    tpu.vector_store %arg6[%swap3A_26, %swap3A_27, %swap3A_28], %swap3A_31 {strides = array<i32>} : memref<1x64x128xf32, #tpu.memory_space<vmem>>, vector<1x64x128xf32>,
    return
  }
  func.func @transform_0(%arg0: i32, %arg1: i32) -> (i32, i32) {
    %c0_i32 = arith.constant 0 : i32
    %c0_i32_0 = arith.constant 0 : i32
    %c0_i32_1 = arith.constant 0 : i32
    return %c0_i32, %c0_i32_0 : i32, i32
  }
  func.func @transform_1(%arg0: i32, %arg1: i32) -> (i32, i32, i32, i32) {
    %c0_i32 = arith.constant 0 : i32
    %c0_i32_0 = arith.constant 0 : i32
    %c0_i32_1 = arith.constant 0 : i32
    return %arg0, %c0_i32, %arg1, %c0_i32_0 : i32, i32, i32, i32
  }
  func.func @transform_2(%arg0: i32, %arg1: i32) -> (i32, i32, i32) {
    %c0_i32 = arith.constant 0 : i32
    %c0_i32_0 = arith.constant 0 : i32
    return %arg0, %arg1, %c0_i32 : i32, i32, i32
  }
  func.func @transform_3(%arg0: i32, %arg1: i32) -> (i32, i32, i32) {
    %c0_i32 = arith.constant 0 : i32
    %c0_i32_0 = arith.constant 0 : i32
    return %arg0, %arg1, %c0_i32 : i32, i32, i32
  }
  func.func @transform_4(%arg0: i32, %arg1: i32) -> (i32, i32, i32) {
    %c0_i32 = arith.constant 0 : i32
    %c0_i32_0 = arith.constant 0 : i32
    return %arg0, %arg1, %c0_i32 : i32, i32, i32
  }
}

</mosaic_0001>

<sc_bundles>
// kernel: kernel.5.cloned.1.call-start
scs
__scs_entry_jumppad:
0x0: {  	(pc) =	sbr.rel $0x88, $3  }
0x1: {  	(tag) =	ssettag $0x0;
	lr =	simm.s32 $0x1  }
0x2: {  	[smem:$0x3F9E] =	sst lr;
	_ =	strace $0xD0000000  }
0x3: {  	_ = 	snop  }
0x4: {  	_ = 	snop  }
0x5: {  	_ = 	snop  }
0x6: {  	_ = 	snop  }
0x7: {  	_ = 	snop  }
__scs_overlays_trampoline_lowered:
0x8: {  	[smem:$0x3FAD] =	sst s0  }
0x9: {  	[smem:$0x3FAE] =	sst s1  }
0xa: {  	[smem:$0x3FAF] =	sst s2  }
0xb: {  	[smem:$0x3FB0] =	sst s3  }
0xc: {  	[smem:$0x3FB1] =	sst s4  }
0xd: {  	[smem:$0x3FB2] =	sst s5  }
0xe: {  	[smem:$0x3FB3] =	sst s6  }
0xf: {  	[smem:$0x3FB4] =	sst s7  }
0x10: {  	[smem:$0x3FB5] =	sst s8  }
0x11: {  	[smem:$0x3FB6] =	sst s9;
	s0 =	simm.s32 @!p0 $0x0  }
0x12: {  	s1 =	sld [smem:$0x3F9C];
	s0 =	simm.s32 @p0 $0x1  }
0x13: {  	[smem:$0x3FB7] =	sst s0;
	s0 =	simm.s32 @!p1 $0x0  }
0x14: {  	s2 =	sld [smem:$0x3F9B];
	s0 =	simm.s32 @p1 $0x1  }
0x15: {  	[smem:$0x3FB8] =	sst s0;
	s0 =	simm.s32 @!p2 $0x0  }
0x16: {  	s3 =	sld [smem:$0x3FDB];
	s0 =	simm.s32 @p2 $0x1  }
0x17: {  	s4 =	simm.s32 $0x1BF5;
	[smem:$0x3FBA] =	sst s0  }
0x18: {  	s0 =	sld [smem:$0x3F9D];
	_ =	swait.ge [sflag:s4], $0x0  }
0x19: {  	s7 =	sld [smem:$0x3F9E]  }
0x1a: {  	s8 =	sadd.s32 $0xFFFFE003, lr  }
0x1b: {  	s9 =	sadd.s32 $0xFFFFFEF7, lr;
	s5 =	simm.s32 $0xFFFFFFFF;
	p2 =	slt.u32 s8, $0xFFFFF086  }
0x1c: {  	p1 =	slt.u32 s9, $0xF7A;
	s5 =	simm.s32 @!p2 $0x0  }
0x1d: {  	s5 =	simm.s32 @p1 $0x1;
	p0 =	seq.s32 s7, s2  }
0x1e: {  	s7 =	smul.u32 @!p0 $0xF7A, s2;
	p2 =	seq.s32 @!p0 s5, $0x0  }
0x1f: {  	s9 =	smul.u32 $0xF7A, s1;
	s8 =	simm.s32 @!p0 $0x1BF5;
	p2 =	por !p2, p0  }
0x20: {  	[sflag:s8] =	ssyncset.s32 @!p0 $0xFFFFF086;
	s6 =	sadd.s32 @!p0 s3, s7;
	s7 =	simm.s32 @!p0 $0x108  }
0x21: {  	s3 =	sadd.s32 s3, s9;
	s6 =	sadd.s32 @!p0 $0x88, s6;
	s7 =	simm.s32 @p2 $0x1082  }
0x22: {  	[simem:s7], [sflag:s8] =	dma.local @!p0 [hbm:s6], $0xF7A  }
0x23: {  	s9 =	sor.u32 $0xD0000000, s2;
	s6 =	simm.s32 $0x108;
	_ =	swait.ge @!p0 [sflag:s8], $0x0  }
0x24: {  	s3 =	sadd.s32 $0x88, s3;
	s6 =	simm.s32 @!p1 $0x1082;
	[sflag:s4] =	ssyncset.s32 $0xFFFFF086  }
0x25: {  	[simem:s6], [sflag:s4] =	dma.local [hbm:s3], $0xF7A  }
0x26: {  	[smem:$0x3F9E] =	sst s1;
	(tag) =	ssettag s2;
	_ =	strace s9  }
0x27: {  	s1 =	sld [smem:$0x3FAE]  }
0x28: {  	s2 =	sld [smem:$0x3FAF]  }
0x29: {  	s4 =	sld [smem:$0x3FB1]  }
0x2a: {  	p0 =	seq.s32 s5, $0x0;
	s5 =	sld [smem:$0x3FB2]  }
0x2b: {  	s6 =	sld [smem:$0x3FB3]  }
0x2c: {  	s7 =	sld [smem:$0x3FB4]  }
0x2d: {  	s3 =	simm.s32 $0x108;
	s8 =	sld [smem:$0x3FB5]  }
0x2e: {  	s3 =	simm.s32 @!p0 $0x1082;
	s9 =	sld [smem:$0x3FB6]  }
0x2f: {  	lr =	sadd.s32 s0, s3;
	s0 =	sld [smem:$0x3FAD]  }
0x30: {  	s3 =	sld [smem:$0x3FB0]  }
0x31: {  	[smem:$0x3FB9] =	sst s10  }
0x32: {  	s10 =	sld [smem:$0x3FB7];
	_ =	sdelay $0x3  }
0x33: {  	p0 =	seq.s32 s10, $0x1;
	s10 =	sld [smem:$0x3FB9];
	_ =	sdelay $0x3  }
0x34: {  	[smem:$0x3FB9] =	sst s10  }
0x35: {  	s10 =	sld [smem:$0x3FB8];
	_ =	sdelay $0x3  }
0x36: {  	p1 =	seq.s32 s10, $0x1;
	s10 =	sld [smem:$0x3FB9];
	_ =	sdelay $0x3  }
0x37: {  	[smem:$0x3FB9] =	sst s10  }
0x38: {  	s10 =	sld [smem:$0x3FBA]  }
0x39: {  	_ = 	snop;
	(pc) =	sbr.ind lr, $3  }
0x3a: {  	_ = 	snop  }
0x3b: {  	_ = 	snop  }
0x3c: {  	p2 =	seq.s32 s10, $0x1;
	s10 =	sld [smem:$0x3FB9]  }
0x3d: {  	_ =	shalt  }
0x3e: {  	_ =	shalt  }
0x3f: {  	_ =	shalt  }
0x40: {  	_ =	shalt  }
0x41: {  	_ =	shalt  }
0x42: {  	_ =	shalt  }
0x43: {  	_ =	shalt  }
0x44: {  	_ =	shalt  }
0x45: {  	_ =	shalt  }
0x46: {  	_ =	shalt  }
0x47: {  	_ =	shalt  }
0x48: {  	_ =	shalt  }
0x49: {  	_ =	shalt  }
0x4a: {  	_ =	shalt  }
0x4b: {  	_ =	shalt  }
0x4c: {  	_ =	shalt  }
0x4d: {  	_ =	shalt  }
0x4e: {  	_ =	shalt  }
0x4f: {  	_ =	shalt  }
0x50: {  	_ =	shalt  }
0x51: {  	_ =	shalt  }
0x52: {  	_ =	shalt  }
0x53: {  	_ =	shalt  }
0x54: {  	_ =	shalt  }
0x55: {  	_ =	shalt  }
0x56: {  	_ =	shalt  }
0x57: {  	_ =	shalt  }
0x58: {  	_ =	shalt  }
0x59: {  	_ =	shalt  }
0x5a: {  	_ =	shalt  }
0x5b: {  	_ =	shalt  }
0x5c: {  	_ =	shalt  }
0x5d: {  	_ =	shalt  }
0x5e: {  	_ =	shalt  }
0x5f: {  	_ =	shalt  }
0x60: {  	_ =	shalt  }
0x61: {  	_ =	shalt  }
0x62: {  	_ =	shalt  }
0x63: {  	_ =	shalt  }
0x64: {  	_ =	shalt  }
0x65: {  	_ =	shalt  }
0x66: {  	_ =	shalt  }
0x67: {  	_ =	shalt  }
0x68: {  	_ =	shalt  }
0x69: {  	_ =	shalt  }
0x6a: {  	_ =	shalt  }
0x6b: {  	_ =	shalt  }
0x6c: {  	_ =	shalt  }
0x6d: {  	_ =	shalt  }
0x6e: {  	_ =	shalt  }
0x6f: {  	_ =	shalt  }
0x70: {  	_ =	shalt  }
0x71: {  	_ =	shalt  }
0x72: {  	_ =	shalt  }
0x73: {  	_ =	shalt  }
0x74: {  	_ =	shalt  }
0x75: {  	_ =	shalt  }
0x76: {  	_ =	shalt  }
0x77: {  	_ =	shalt  }
0x78: {  	_ =	shalt  }
0x79: {  	_ =	shalt  }
0x7a: {  	_ =	shalt  }
0x7b: {  	_ =	shalt  }
0x7c: {  	_ =	shalt  }
0x7d: {  	_ =	shalt  }
0x7e: {  	_ =	shalt  }
0x7f: {  	_ =	shalt  }
0x80: {  	_ =	shalt  }
0x81: {  	_ =	shalt  }
0x82: {  	_ =	shalt  }
0x83: {  	_ =	shalt  }
0x84: {  	_ =	shalt  }
0x85: {  	_ =	shalt  }
0x86: {  	_ =	shalt  }
0x87: {  	_ =	shalt  }
.Lfunc_end0:
.L_simem_size_0:
called_computation_lowered:
.L_overlay_start_0:
0x88: {  	s2 =	sld [smem:$0x3FD9]  }
0x89: {  	s3 =	sld [smem:$0x3FFE];
	_ =	sdelay $0x1  }
0x8a: {  	s1 =	srdreg.scid  }
0x8b: {  	s0 =	sand.u32 $0x1, s1  }
0x8c: {  	s17 =	sshll.u32 s0, $0xA;
	s2 =	sadd.s32 s3, s2  }
0x8d: {  	s2 =	sadd.s32 s2, s17  }
0x8e: {  	[smem:$0x3FC5] =	sst s2  }
0x8f: {  	_ = 	snop  }
0x90: {  	s2 =	sld [smem:$0x3FC8];
	(tm) =	ssettm $0x1  }
0x91: {  	s18 =	sld [smem:$0x3FFB];
	_ =	sdelay $0x3  }
0x92: {  	_ =	strace s18  }
0x93: {  	s3 =	sld [smem:$0x3FFC];
	_ =	sdelay $0x3  }
0x94: {  	_ =	strace s3  }
0x95: {  	s3 =	sld [smem:$0x3FFD];
	_ =	sdelay $0x3  }
0x96: {  	_ =	strace s3  }
0x97: {  	_ =	strace $0x8FFFFFFF  }
0x98: {  	s19 =	sld [smem:$0x3FDB];
	_ =	sdelay $0x1  }
0x99: {  	s4 =	simm.s32 $_scs_section_size  }
0x9a: {  	s5 =	simm.s32 $_size__tile_overlayer_lowered;
	s6 =	simm.s32 $_tile_overlayer_lowered  }
0x9b: {  	s22 =	simm.s32 $0x1BFF;
	s21 =	sshll.u32 s6, $0x1;
	s3 =	sadd.s32 s4, s19  }
0x9c: {  	s7 =	simm.s32 $0x0;
	s20 =	sshll.u32 s5, $0x1;
	s5 =	sadd.s32 s21, s3  }
0x9d: {  	[timem:s7], [sflag:s22] =	dma.local [hbm:s5], s20  }
0x9e: {  	_ =	swait.ge [sflag:s22], s20  }
0x9f: {  	s4 =	ssub.s32 $0x0, s20;
	[sflag:s22] =	ssyncset.done $0x0  }
0xa0: {  	[sflag:s22] =	ssyncadd.s32 s4;
	_ =	sdelay $0x1  }
0xa1: {  	s23 =	simm.s32 $0x1B8B  }
0xa2: {  	_ =	swait.ge [sflag:s23], $0x1  }
0xa3: {  	[sflag:s23] =	ssyncset.done $0x0  }
0xa4: {  	s25 =	simm.s32 $0x1B8E;
	s24 =	sld [smem:$0x3FFE];
	[sflag:s23] =	ssyncadd.s32 $0xFFFFFFFF  }
0xa5: {  	s26 =	simm.s32 $execute0_lowered;
	[smem:$0x3FD2] =	sst s25  }
0xa6: {  	s5 =	sshll.u32 s26, $0x1;
	_ =	strace $0x80000046;
	[dreg:$0x1] =	wrdreg $0xFFFFFFFF  }
0xa7: {  	s28 =	simm.s32 $_size_execute0_lowered;
	s3 =	sadd.s32 s3, s5;
	[dreg:$0x0] =	wrdreg $0x0  }
0xa8: {  	s5 =	sshll.u32 s28, $0x1;
	[dreg:$0x2] =	wrdreg s3  }
0xa9: {  	[dreg:$0x3] =	wrdreg s5  }
0xaa: {  	[dreg:$0x4] =	wrdreg $0xC0  }
0xab: {  	_ =	task [dreg:s7], $0x5FFFF  }
0xac: {  	[dreg:$0x1] =	wrdreg $0xFFFFFFFF  }
0xad: {  	[dreg:$0x0] =	wrdreg $0x60  }
0xae: {  	[dreg:$0x2] =	wrdreg s24  }
0xaf: {  	[dreg:$0x3] =	wrdreg s2  }
0xb0: {  	[dreg:$0x4] =	wrdreg $0x9  }
0xb1: {  	_ =	task.clear_ibuf [dreg:s7], $0x5FFFF;
	_ =	strace $0x90000046  }
0xb2: {  	s29 =	simm.s32 $0x9;
	_ =	strace $0x80000048  }
0xb3: {  	_ =	swait.ge [sflag:s29], $0x1  }
0xb4: {  	[sflag:s29] =	ssyncadd.s32 $0xFFFFFFFF  }
0xb5: {  	_ =	strace $0x90000048  }
0xb6: {  	_ =	sfence  }
0xb7: {  	s30 =	sld [smem:$0x0];
	_ =	sdelay $0x2  }
0xb8: {  	s31 =	sshll.u32 s1, $0xD;
	s1 =	sshrl.u32 s1, $0x2  }
0xb9: {  	s3 =	sand.u32 $0x4000, s31;
	s1 =	sadd.s32 s1, s30  }
0xba: {  	s0 =	sor.u32 s3, s0;
	s1 =	sshll.u32 s1, $0x11  }
0xbb: {  	s0 =	sor.u32 s1, s0  }
0xbc: {  	s0 =	sadd.s32 $0x8F2B, s0  }
0xbd: {  	[sflag:s0] =	ssyncadd.remote.s32 $0x1  }
0xbe: {  	_ =	sfence.sel $0xFFFF  }
0xbf: {  	[dreg:$0x0] =	wrdreg $0xFFFFFFFF;
	(pc) =	sbr.abs _section_cstart, $3  }
0xc0: {  	[dreg:$0x1] =	wrdreg $0xFFFFFFFF  }
0xc1: {  	_ =	task.clear_ibuf [dreg:s7], $0x2FFFF;
	_ =	strace $0x9FFFFFFF  }
0xc2: {  	(tm) =	ssettm $0x7FFFFFFF  }
0xc3: {  	_ =	shalt  }
tec
execute0_lowered:
.L_overlay_start_1:
0x0: {  	(tag) =	ssettag $0x1  }
0x1: {  	s3 =	rddreg [dreg:$0x0];
	s1 =	srdreg.scid  }
0x2: {  	s0 =	stileid.u32;
	s5 =	rddreg [dreg:$0x1];
	s2 =	simm.s32 $0x0  }
0x3: {  	s10 =	simm.s32 $0x1;
	s11 =	simm.s32 $0x2;
	s12 =	simm.s32 $0x3  }
0x4: {  	s13 =	simm.s32 $0x1800;
	s14 =	simm.s32 $0x1980;
	s15 =	simm.s32 $0x4  }
0x5: {  	s16 =	simm.s32 $0x0;
	s4 =	sand.u32 $0x1, s1;
	s1 =	rddreg [dreg:$0x2]  }
0x6: {  	s6 =	sshll.u32 s0, $0x1;
	[smem:$0x7FF] =	sst s2;
	s8 =	sshll.u32 s0, $0x7  }
0x7: {  	s6 =	sor.u32 s4, s6;
	_ =	strace $0x80000047;
	s4 =	ssub.s32 $0x2, s4  }
0x8: {  	s7 =	sshll.u32 s6, $0xB;
	s6 =	sshll.u32 s6, $0x4;
	s31 =	sshrl.u32 s4, $0x1  }
0x9: {  	s7 =	sor.u32 s8, s7;
	s6 =	sadd.s32 s6, s3;
	s9 =	ssub.s32 s4, s31  }
0xa: {  	s8 =	simm.s32 $0x800;
	s7 =	sand.u32 $0x1F00, s7;
	s6 =	sadd.s32 $0x4C00, s6  }
0xb: {  	s30 =	sadd.s32 s7, s3;
	s5 =	sadd.s32 s5, s7;
	s7 =	smax.u32 s9, $0x1  }
0xc: {  	v0 =	vimm.f32 $0.0e+00;
	v1 =	vimm.f32 $1.000000000e+00;
	s9 =	simm.s32 $0x1000;
	s3 =	sadd.s32 $0xC00, s30;
	s4 =	sadd.s32 $0x2C00, s30  }
.LBB2_1:
0xd: {  	[tilespmem:s2], [sflag:$0x1] =	stream.linear.gather [hbm4b:s3+s2], $0x800, $0x38;
	[tilespmem:$0x1A00] =	vst v63  }
0xe: {  	_ = 	snop  }
0xf: {  	[tilespmem:s8], [sflag:$0x2] =	stream.linear.gather [hbm4b:s4+s2], $0x800, $0x38;
	[tilespmem:$0x1A00] =	vst v63  }
0x10: {  	s17 =	simm.s32 $0x1820  }
0x11: {  	[tilespmem:s9], [sflag:$0x3] =	stream.linear.gather [hbm4b:s5+s2], $0x800, $0x38;
	[tilespmem:$0x1A00] =	vst v63  }
0x12: {  	[tilespmem:s17+$0xFFFFFFE0] =	vst v0  }
0x13: {  	[tilespmem:s17+$0x10] =	vst v0  }
0x14: {  	s18 =	simm.s32 $0x0;
	[tilespmem:s17+$0x0] =	vst v0  }
.LBB2_2:
0x15: {  	s18 =	sadd.s32 $0x4, s18  }
0x16: {  	[tilespmem:s17+$0xFFFFFFF0] =	vst v0;
	s17 =	sadd.s32 $0x40, s17;
	p0 =	slt.u32 s18, $0x14  }
.Ltmp0:
0x17: {  	[tilespmem:s17+$0xFFFFFFE0] =	vst v0;
	(pc) =	sbr.rel @p0 .LBB2_2-.Ltmp0, $3  }
0x18: {  	_ =	sdelay $0x1  }
0x19: {  	[tilespmem:s17+$0x10] =	vst v0  }
0x1a: {  	[tilespmem:s17+$0x0] =	vst v0  }
0x1b: {  	[tilespmem:s17+$0xFFFFFFF0] =	vst v0  }
0x1c: {  	_ =	swait.ge [sflag:s10], $0x800  }
0x1d: {  	[sflag:s10] =	ssyncset.done $0x0  }
0x1e: {  	[sflag:s10] =	ssyncadd.s32 $0xFFFFF800  }
0x1f: {  	_ =	swait.ge [sflag:s11], $0x800  }
0x20: {  	[sflag:s11] =	ssyncset.done $0x0  }
0x21: {  	[sflag:s11] =	ssyncadd.s32 $0xFFFFF800  }
0x22: {  	_ =	swait.ge [sflag:s12], $0x800  }
0x23: {  	[sflag:s12] =	ssyncset.done $0x0  }
0x24: {  	s18 =	simm.s32 $0x1020;
	[sflag:s12] =	ssyncadd.s32 $0xFFFFF800  }
0x25: {  	v2 =	vld [tilespmem:s18+$0x10]  }
0x26: {  	v3 =	vld [tilespmem:s18+$0xFFFFFFE0]  }
0x27: {  	v4 =	vld [tilespmem:s18+$0xFFFFFFF0]  }
0x28: {  	s17 =	simm.s32 $0x20;
	v5 =	vld [tilespmem:s18+$0x0]  }
0x29: {  	v6 =	vld [tilespmem:s17+$0x10]  }
0x2a: {  	v11 =	vld [tilespmem:s17+$0xFFFFFFF0]  }
0x2b: {  	v59 =	vld [tilespmem:s17+$0x0]  }
0x2c: {  	s18 =	simm.s32 $0x820;
	v13 =	vld [tilespmem:s17+$0xFFFFFFE0]  }
0x2d: {  	v8 =	vld [tilespmem:s18+$0x10];
	v7 =	vadd.s32 $0x60, v2  }
0x2e: {  	v10 =	vld [tilespmem:s18+$0xFFFFFFE0];
	v57 =	vadd.s32 $0x20, v4  }
0x2f: {  	v12 =	vld [tilespmem:s18+$0xFFFFFFF0];
	v60 =	vadd.s32 $0x40, v5  }
0x30: {  	v61 =	vld [tilespmem:s18+$0x0];
	v9 =	vadd.s32 $0xE0, v2  }
0x31: {  	v2 =	vadd.s32 $0x160, v2;
	[tilespmem:v3+s13+$0x0] =	vst.idx.add.f32.msk $0xffff, v13  }
0x32: {  	v14 =	vadd.s32 $0x80, v3;
	[tilespmem:v7+s13+$0x0] =	vst.idx.add.f32.msk $0xffff, v6  }
0x33: {  	v58 =	vadd.s32 $0xA0, v4;
	[tilespmem:v57+s13+$0x0] =	vst.idx.add.f32.msk $0xffff, v11  }
0x34: {  	v62 =	vadd.s32 $0x100, v3;
	[tilespmem:v60+s13+$0x0] =	vst.idx.add.f32.msk $0xffff, v59  }
0x35: {  	v63 =	vadd.s32 $0xC0, v5;
	[tilespmem:v9+s13+$0x0] =	vst.idx.add.f32.msk $0xffff, v8  }
0x36: {  	[tilespmem:v2+s13+$0x0] =	vst.idx.add.f32.msk $0xffff, v1;
	v2 =	vadd.s32 $0x120, v4  }
0x37: {  	[tilespmem:v14+s13+$0x0] =	vst.idx.add.f32.msk $0xffff, v10  }
0x38: {  	[tilespmem:v58+s13+$0x0] =	vst.idx.add.f32.msk $0xffff, v12  }
0x39: {  	[tilespmem:v62+s13+$0x0] =	vst.idx.add.f32.msk $0xffff, v1  }
0x3a: {  	[tilespmem:v63+s13+$0x0] =	vst.idx.add.f32.msk $0xffff, v61  }
0x3b: {  	s19 =	simm.s32 $0x0;
	s20 =	simm.s32 $0x1060;
	[tilespmem:v2+s13+$0x0] =	vst.idx.add.f32.msk $0xffff, v1;
	v2 =	vadd.s32 $0x140, v5  }
.LBB2_4:
0x3c: {  	v3 =	vld [tilespmem:s20+$0x10]  }
0x3d: {  	v4 =	vld [tilespmem:s20+$0xFFFFFFE0]  }
0x3e: {  	s19 =	sadd.s32 $0x4, s19;
	v5 =	vld [tilespmem:s20+$0xFFFFFFF0]  }
0x3f: {  	p0 =	slt.u32 s19, $0x7C;
	v6 =	vld [tilespmem:s20+$0x0]  }
0x40: {  	s17 =	sadd.s32 $0x40, s17;
	[tilespmem:v2+s13+$0x0] =	vst.idx.add.f32.msk $0xffff, v1  }
0x41: {  	s18 =	sadd.s32 $0x40, s18;
	v7 =	vld [tilespmem:s17+$0x10];
	v8 =	vadd.s32 $0x60, v3  }
0x42: {  	v12 =	vadd.s32 $0xE0, v3;
	v9 =	vadd.s32 $0x80, v4;
	v10 =	vadd.s32 $0x100, v4;
	v11 =	vld [tilespmem:s18+$0x10]  }
0x43: {  	v3 =	vadd.s32 $0x160, v3;
	v13 =	vld [tilespmem:s18+$0xFFFFFFE0];
	v14 =	vadd.s32 $0x20, v5;
	v15 =	vadd.s32 $0xA0, v5  }
0x44: {  	v5 =	vadd.s32 $0x120, v5;
	v16 =	vld [tilespmem:s17+$0xFFFFFFF0];
	v17 =	vadd.s32 $0x40, v6;
	v18 =	vadd.s32 $0xC0, v6  }
0x45: {  	v2 =	vadd.s32 $0x140, v6;
	v19 =	vld [tilespmem:s18+$0xFFFFFFF0]  }
0x46: {  	[tilespmem:v8+s13+$0x0] =	vst.idx.add.f32.msk $0xffff, v7  }
0x47: {  	[tilespmem:v12+s13+$0x0] =	vst.idx.add.f32.msk $0xffff, v11  }
0x48: {  	[tilespmem:v3+s13+$0x0] =	vst.idx.add.f32.msk $0xffff, v1  }
0x49: {  	v3 =	vld [tilespmem:s17+$0x0]  }
0x4a: {  	v6 =	vld [tilespmem:s18+$0x0]  }
0x4b: {  	v7 =	vld [tilespmem:s17+$0xFFFFFFE0]  }
0x4c: {  	[tilespmem:v14+s13+$0x0] =	vst.idx.add.f32.msk $0xffff, v16  }
0x4d: {  	[tilespmem:v15+s13+$0x0] =	vst.idx.add.f32.msk $0xffff, v19  }
0x4e: {  	[tilespmem:v5+s13+$0x0] =	vst.idx.add.f32.msk $0xffff, v1  }
.Ltmp1:
0x4f: {  	[tilespmem:v17+s13+$0x0] =	vst.idx.add.f32.msk $0xffff, v3;
	(pc) =	sbr.rel @p0 .LBB2_4-.Ltmp1, $4  }
0x50: {  	[tilespmem:v4+s13+$0x0] =	vst.idx.add.f32.msk $0xffff, v7  }
0x51: {  	[tilespmem:v9+s13+$0x0] =	vst.idx.add.f32.msk $0xffff, v13  }
0x52: {  	[tilespmem:v10+s13+$0x0] =	vst.idx.add.f32.msk $0xffff, v1  }
0x53: {  	s20 =	sadd.s32 $0x40, s20;
	[tilespmem:v18+s13+$0x0] =	vst.idx.add.f32.msk $0xffff, v6  }
0x54: {  	_ =	sdelay $0x3  }
0x55: {  	[tilespmem:v2+s13+$0x0] =	vst.idx.add.f32.msk $0xffff, v1  }
0x56: {  	v2 =	vld [tilespmem:$0x1800]  }
0x57: {  	v3 =	vld [tilespmem:$0x1820]  }
0x58: {  	v4 =	vld [tilespmem:$0x1840]  }
0x59: {  	v5 =	vld [tilespmem:$0x1860]  }
0x5a: {  	v6 =	vld [tilespmem:$0x1810]  }
0x5b: {  	v7 =	vld [tilespmem:$0x1830]  }
0x5c: {  	v8 =	vld [tilespmem:$0x1850]  }
0x5d: {  	v9 =	vld [tilespmem:$0x1870]  }
0x5e: {  	v10 =	vld [tilespmem:$0x1880]  }
0x5f: {  	v11 =	vld [tilespmem:$0x18A0]  }
0x60: {  	v12 =	vld [tilespmem:$0x18C0]  }
0x61: {  	v13 =	vld [tilespmem:$0x18E0]  }
0x62: {  	v14 =	vld [tilespmem:$0x1890]  }
0x63: {  	v15 =	vld [tilespmem:$0x18B0]  }
0x64: {  	v53 =	vld [tilespmem:$0x1900]  }
0x65: {  	v54 =	vld [tilespmem:$0x1910];
	v2 =	vadd.f32 $0.0e+00, v2  }
0x66: {  	v16 =	vld [tilespmem:$0x18D0];
	v6 =	vadd.f32 $0.0e+00, v6  }
0x67: {  	v55 =	vld [tilespmem:$0x1920];
	v56 =	vadd.f32 $0.0e+00, v10;
	v2 =	vadd.f32 v3, v2  }
0x68: {  	v57 =	vld [tilespmem:$0x1930];
	v58 =	vadd.f32 $0.0e+00, v14;
	v6 =	vadd.f32 v7, v6  }
0x69: {  	v59 =	vld [tilespmem:$0x1940];
	v7 =	vadd.f32 $0.0e+00, v53;
	v2 =	vadd.f32 v4, v2  }
0x6a: {  	v60 =	vld [tilespmem:$0x1950];
	v6 =	vadd.f32 v8, v6;
	v4 =	vadd.f32 $0.0e+00, v54  }
0x6b: {  	v3 =	vld [tilespmem:$0x18F0];
	v2 =	vadd.f32 v5, v2;
	v5 =	vadd.f32 v11, v56  }
0x6c: {  	v61 =	vld [tilespmem:$0x1960];
	v6 =	vadd.f32 v9, v6;
	v9 =	vadd.f32 v15, v58  }
0x6d: {  	v62 =	vld [tilespmem:$0x1970];
	[tilespmem:$0x19E0] =	vst v0;
	v7 =	vadd.f32 v55, v7;
	v5 =	vadd.f32 v12, v5  }
0x6e: {  	[tilespmem:$0x19F0] =	vst v0;
	v4 =	vadd.f32 v57, v4;
	v9 =	vadd.f32 v16, v9  }
0x6f: {  	v63 =	vadd.f32 v59, v7;
	[tilespmem:$0x1980] =	vst v2;
	v2 =	vadd.f32 v13, v5  }
0x70: {  	[tilespmem:$0x1990] =	vst v6;
	v4 =	vadd.f32 v60, v4;
	v3 =	vadd.f32 v3, v9  }
0x71: {  	[tilespmem:$0x19A0] =	vst v2;
	v2 =	vadd.f32 v61, v63  }
0x72: {  	s16 =	sadd.s32 $0x1, s16;
	[tilespmem:$0x19B0] =	vst v3;
	v3 =	vadd.f32 v62, v4  }
0x73: {  	p0 =	sne.s32 s16, s7;
	[tilespmem:$0x19C0] =	vst v2  }
.Ltmp2:
0x74: {  	[tilespmem:$0x19D0] =	vst v3;
	(pc) =	sbr.rel @p0 .LBB2_1-.Ltmp2, $4  }
0x75: {  	[hbm4b:s6+s2] =	stream.linear.scatter [tilespmem:s14], [sflag:$0x4], $0x80, $0x38;
	[tilespmem:$0x1A00] =	vst v63  }
0x76: {  	_ =	swait.ge [sflag:s15], $0x80  }
0x77: {  	[sflag:s15] =	ssyncset.done $0x0  }
0x78: {  	[sflag:s15] =	ssyncadd.s32 $0xFFFFFF80  }
0x79: {  	_ =	sfence.sel $0x180000  }
0x7a: {  	[bflag:$0x0] =	sbarrier.arrive $0xFFFF  }
0x7b: {  	p0 =	sne.s32 s0, $0x0;
	_ =	strace $0x90000047  }
0x7c: {  	s0 =	sadd.s32 @!p0 $0x100000, s1;
	[bflag:$0x2] =	sbarrier.arrive $0xFFFF  }
0x7d: {  	[sflag:s0] =	ssyncadd.tile.s32 @!p0 $0x1;
	_ =	shalt  }
.Lfunc_end2:
_tile_overlayer_lowered:
.L_overlay_start_2:
0x7e: {  	(tag) =	ssettag $0x2  }
0x7f: {  	s0 =	rddreg [dreg:$0x0];
	s2 =	stileid.u32  }
0x80: {  	s1 =	rddreg [dreg:$0x1];
	p0 =	sne.s32 s2, $0x0  }
0x81: {  	s3 =	rddreg [dreg:$0x2];
	[bflag:$0x3] =	sbarrier.arrive $0xFFFF;
	s2 =	simm.s32 @!p0 $0x1C04  }
0x82: {  	[timem:s3], [sflag:s2] =	dma.local @!p0 [hbm:s0], s1  }
0x83: {  	s0 =	simm.s32 @!p0 $0x4  }
0x84: {  	_ =	swait.ge @!p0 [sflag:s0], s1  }
0x85: {  	s1 =	ssub.s32 @!p0 $0x0, s1;
	[sflag:s0] =	ssyncset.done @!p0 $0x0  }
0x86: {  	[sflag:s0] =	ssyncadd.s32 @!p0 s1  }
0x87: {  	[bflag:$0x3] =	sbarrier.arrive $0xFFFF  }
0x88: {  	_ =	shalt  }

</sc_bundles>
